<compile_context>
chip_gen: v7x
topology: tpu7x:2x2x1
jax: 0.10.2.dev20260603
libtpu: 0.0.44.dev20260713+nightly
codegen_flags: <defaults>
</compile_context>

<pallas_src>
import functools

import jax
import jax.numpy as jnp
from jax import lax
from jax.experimental import pallas as pl
from jax.experimental.pallas import tpu as pltpu
from jax.experimental.pallas import tpu_sc as plsc

NCB = 37
CODE_RANGE = 21
NVALID = NCB * CODE_RANGE
K = 896
D = 3072
KAUG = 40
LB = 1024

_NC, _NS = 2, 16
_ROWS_PER_W = 32


def _sc_gather_table(embeddings, gather_idx):
    mesh = plsc.VectorSubcoreMesh(core_axis_name="c", subcore_axis_name="s")

    @functools.partial(
        pl.kernel,
        mesh=mesh,
        out_type=jax.ShapeDtypeStruct((K, D), jnp.float32),
        scratch_types=[
            pltpu.VMEM((_ROWS_PER_W,), jnp.int32),
            pltpu.VMEM((2, _ROWS_PER_W // 2, D), jnp.float32),
            pltpu.SemaphoreType.DMA,
            pltpu.SemaphoreType.DMA,
            pltpu.SemaphoreType.DMA,
            pltpu.SemaphoreType.DMA,
        ],
    )
    def sc_gather(emb_hbm, idx_hbm, out_hbm, idx_v, rows_v, g0, g1, o0, o1):
        wid = lax.axis_index("s") * _NC + lax.axis_index("c")
        base = wid * _ROWS_PER_W
        hw = _ROWS_PER_W // 2

        @pl.when(base < K)
        def _():
            pltpu.sync_copy(idx_hbm.at[pl.ds(base, _ROWS_PER_W)], idx_v)
            cp_a = pltpu.async_copy(
                emb_hbm.at[idx_v.at[pl.ds(0, hw)]], rows_v.at[0], g0)
            cp_b = pltpu.async_copy(
                emb_hbm.at[idx_v.at[pl.ds(hw, hw)]], rows_v.at[1], g1)
            cp_a.wait()
            out_a = pltpu.async_copy(
                rows_v.at[0], out_hbm.at[pl.ds(base, hw)], o0)
            cp_b.wait()
            out_b = pltpu.async_copy(
                rows_v.at[1], out_hbm.at[pl.ds(base + hw, hw)], o1)
            out_a.wait()
            out_b.wait()

    return sc_gather(embeddings, gather_idx)


def _tc_body(codes_ref, table_ref, out_ref, tbf_ref, exp_ref):
    @pl.when((pl.program_id(0) == 0) & (pl.program_id(1) == 0))
    def _():
        tbf_ref[...] = table_ref[...].astype(jnp.bfloat16)
        jj = lax.broadcasted_iota(jnp.int32, (KAUG, K), 1)
        cc = lax.broadcasted_iota(jnp.int32, (KAUG, K), 0)
        win = ((jj // CODE_RANGE == cc) & (cc < NCB)).astype(jnp.int32)
        negr = jnp.where(jj < NVALID, -(jj % CODE_RANGE), -256)
        exp_ref[...] = jnp.where(
            cc == NCB, negr, win).astype(jnp.bfloat16)

    ct = codes_ref[0]
    ct_aug = jnp.concatenate(
        [ct,
         jnp.ones((1,) + ct.shape[1:], jnp.int32),
         jnp.zeros((KAUG - NCB - 1,) + ct.shape[1:], jnp.int32)],
        axis=0)
    codes_aug = jnp.transpose(ct_aug).astype(jnp.bfloat16)
    expand = exp_ref[...]
    nsub = 2
    sub = LB // nsub
    for h in range(nsub):
        csub = codes_aug[h * sub:(h + 1) * sub]
        e2 = jnp.dot(csub, expand,
                     preferred_element_type=jnp.float32)
        onehot = (e2 == 0.0).astype(jnp.bfloat16)
        out_ref[0, pl.ds(h * sub, sub), :] = jnp.dot(
            onehot, tbf_ref[...], preferred_element_type=jnp.float32)


def kernel(codes, embeddings, offsets):
    B, ncb, L = codes.shape

    colj = jnp.arange(K, dtype=jnp.int32)
    cb_of_col = colj // CODE_RANGE
    r_of_col = colj % CODE_RANGE
    valid = cb_of_col < ncb
    off_of_col = jnp.take(offsets, jnp.minimum(cb_of_col, ncb - 1), axis=0)
    gather_idx = jnp.where(valid, off_of_col + r_of_col, 0)

    table = _sc_gather_table(embeddings, gather_idx)

    return pl.pallas_call(
        _tc_body,
        grid=(B, L // LB),
        in_specs=[
            pl.BlockSpec((1, ncb, LB), lambda b, i: (b, 0, i)),
            pl.BlockSpec((K, D), lambda b, i: (0, 0)),
        ],
        out_specs=pl.BlockSpec((1, LB, D), lambda b, i: (b, i, 0)),
        out_shape=jax.ShapeDtypeStruct((B, L, D), jnp.float32),
        scratch_shapes=[pltpu.VMEM((K, D), jnp.bfloat16),
                        pltpu.VMEM((KAUG, K), jnp.bfloat16)],
        compiler_params=pltpu.CompilerParams(
            dimension_semantics=("arbitrary", "arbitrary")),
    )(codes, table)

# --- scband reference (transcript-rebuilt; emitter-appended) ---
"""Pipeline reference for scband-audio-token-embedding-34308198761015 (READ-ONLY COPY).

The authoritative reference and input builder live on the scoring server;
editing this copy changes nothing except your own understanding.
"""

import jax, jax.numpy as jnp
import numpy as np

NUM_SPECIAL_TOKENS = 2
EMBEDDING_DIM = 3072
SEMANTIC_CODEBOOK_SIZE = 8192
ACOUSTIC_CODEBOOK_SIZE = 21
NUM_ACOUSTIC_CODEBOOKS = 36
B, NCB, L = 8, 1 + NUM_ACOUSTIC_CODEBOOKS, 2048


def _offsets_and_padded_vocab():
    semantic_vocab = SEMANTIC_CODEBOOK_SIZE + NUM_SPECIAL_TOKENS
    acoustic_vocab = ACOUSTIC_CODEBOOK_SIZE + NUM_SPECIAL_TOKENS
    sizes = [semantic_vocab] + [acoustic_vocab] * NUM_ACOUSTIC_CODEBOOKS
    offsets = np.cumsum([0] + sizes[:-1]).astype(np.int32)
    total_vocab = int(sum(sizes))
    padded_vocab = 128 * ((total_vocab + 127) // 128)
    return offsets, padded_vocab


def setup_inputs(seed: int = 0) -> dict:
    key = jax.random.key(seed)
    k1, k2 = jax.random.split(key)
    # codes in [0, 21): valid for every codebook (acoustic vocab = 23, semantic = 8194)
    codes = jax.random.randint(k1, (B, NCB, L), 0, 21, dtype=jnp.int32)
    offsets_np, padded_vocab = _offsets_and_padded_vocab()
    embeddings = jax.random.normal(k2, (padded_vocab, EMBEDDING_DIM), dtype=jnp.float32) * 0.02
    offsets = jnp.asarray(offsets_np, dtype=jnp.int32)
    return {"codes": codes, "embeddings": embeddings, "offsets": offsets}


def reference(codes, embeddings, offsets):
    # offset each codebook's codes into the concatenated vocab space
    offset_codes = codes + offsets[None, :, None]           # [B, 37, L]
    codebook_embeddings = jnp.take(embeddings, offset_codes, axis=0)  # [B, 37, L, D]
    return codebook_embeddings.sum(axis=1)                  # [B, L, D]

if __name__ == "__main__":
    import jax
    _d = setup_inputs()
    print(jax.jit(kernel)(*tuple(_d.values())))

</pallas_src>

<mosaic_0001>
#map = affine_map<(d0, d1) -> (0, 0)>
#map1 = affine_map<(d0, d1) -> (0)>
module attributes {stable_mosaic.version = 14 : i64} {
  func.func @sc_gather(%arg0: i32, %arg1: i32, %arg2: memref<9088x3072xf32, #tpu.memory_space<hbm>>, %arg3: memref<896xi32, #tpu.memory_space<hbm>>, %arg4: memref<896x3072xf32, #tpu.memory_space<hbm>>, %arg5: memref<32xi32, #tpu.memory_space<vmem>>, %arg6: memref<2x16x3072xf32, #tpu.memory_space<vmem>>, %arg7: memref<!tpu.dma_semaphore, #tpu.memory_space<semaphore_mem>>, %arg8: memref<!tpu.dma_semaphore, #tpu.memory_space<semaphore_mem>>, %arg9: memref<!tpu.dma_semaphore, #tpu.memory_space<semaphore_mem>>, %arg10: memref<!tpu.dma_semaphore, #tpu.memory_space<semaphore_mem>>) attributes {dimension_semantics = [#tpu.dimension_semantics<core_parallel>, #tpu.dimension_semantics<subcore_parallel>], iteration_bounds = array<i64: 2, 16>, scalar_prefetch = 0 : i64, scratch_operands = 6 : i64, tpu.core_type = #tpu.core_type<sc_vector_subcore>, window_params = [{transform_indices = #map}, {transform_indices = #map1}, {transform_indices = #map}]} {
    %mul3A = arith.constant 2 : i32
    %mul3A_0 = arith.muli %arg1, %mul3A : i32
    %add3A = arith.addi %mul3A_0, %arg0 : i32
    %mul3A_1 = arith.constant 32 : i32
    %mul3A_2 = arith.muli %add3A, %mul3A_1 : i32
    %lt3A = arith.constant 896 : i32
    %lt3A_3 = arith.cmpi slt, %mul3A_2, %lt3A : i32
    %convert_element_type3A = arith.extui %lt3A_3 : i1 to i32
    %cond3A = arith.constant 0 : i32
    %cond3A_4 = arith.cmpi ne, %convert_element_type3A, %cond3A : i32
    scf.if %cond3A_4 {
      "tpu.region"() ({
        %run_scoped3A = tpu.sem_alloc : memref<!tpu.dma_semaphore, #tpu.memory_space<semaphore_mem>>
        %dma_start3A_97 = tpu.memref_slice %arg3[%mul3A_2] : memref<896xi32, #tpu.memory_space<hbm>> -> memref<32xi32, #tpu.memory_space<hbm>>
        %dma_start3A_98 = tpu.memref_slice %arg3[%mul3A_2] : memref<896xi32, #tpu.memory_space<hbm>> -> memref<32xi32, #tpu.memory_space<hbm>>
        tpu.enqueue_dma source(%dma_start3A_98 : memref<32xi32, #tpu.memory_space<hbm>>) target(%arg5 : memref<32xi32, #tpu.memory_space<vmem>>) target_semaphore(%run_scoped3A : memref<!tpu.dma_semaphore, #tpu.memory_space<semaphore_mem>>)
        %dma_wait3A_99 = tpu.memref_slice %arg3[%mul3A_2] : memref<896xi32, #tpu.memory_space<hbm>> -> memref<32xi32, #tpu.memory_space<hbm>>
        %dma_wait3A_100 = tpu.memref_slice %arg3[%mul3A_2] : memref<896xi32, #tpu.memory_space<hbm>> -> memref<32xi32, #tpu.memory_space<hbm>>
        tpu.wait_dma2 semaphore(%run_scoped3A : memref<!tpu.dma_semaphore, #tpu.memory_space<semaphore_mem>>) src(%dma_wait3A_100 : memref<32xi32, #tpu.memory_space<hbm>>) dst(%arg5 : memref<32xi32, #tpu.memory_space<vmem>>)
        tpu.yield
      }) : () -> ()
      %dma_start3A = arith.constant 0 : i32
      %dma_start3A_5 = arith.constant 0 : i32
      %dma_start3A_6 = arith.constant 0 : i32
      %dma_start3A_7 = tpu.memref_slice %arg6[%dma_start3A, %dma_start3A_5, %dma_start3A_6] : memref<2x16x3072xf32, #tpu.memory_space<vmem>> -> memref<1x16x3072xf32, #tpu.memory_space<vmem>>
      %dma_start3A_8 = tpu.memref_squeeze %dma_start3A_7 : memref<1x16x3072xf32, #tpu.memory_space<vmem>> -> memref<16x3072xf32, #tpu.memory_space<vmem>>
      %dma_start3A_9 = arith.constant 0 : i32
      %dma_start3A_10 = tpu.memref_slice %arg5[%dma_start3A_9] : memref<32xi32, #tpu.memory_space<vmem>> -> memref<16xi32, #tpu.memory_space<vmem>>
      %dma_start3A_11 = arith.constant 0 : i32
      %dma_start3A_12 = arith.constant 0 : i32
      %dma_start3A_13 = tpu.memref_slice %arg2[%dma_start3A_11, %dma_start3A_12] : memref<9088x3072xf32, #tpu.memory_space<hbm>> -> memref<9088x3072xf32, #tpu.memory_space<hbm>>
      tpu.enqueue_indirect_dma source(%dma_start3A_13 : memref<9088x3072xf32, #tpu.memory_space<hbm>>) target(%dma_start3A_8 : memref<16x3072xf32, #tpu.memory_space<vmem>>) offsets(%dma_start3A_10 : memref<16xi32, #tpu.memory_space<vmem>>) semaphore(%arg7 : memref<!tpu.dma_semaphore, #tpu.memory_space<semaphore_mem>>)
      %dma_start3A_14 = arith.constant 1 : i32
      %dma_start3A_15 = arith.constant 0 : i32
      %dma_start3A_16 = arith.constant 0 : i32
      %dma_start3A_17 = tpu.memref_slice %arg6[%dma_start3A_14, %dma_start3A_15, %dma_start3A_16] : memref<2x16x3072xf32, #tpu.memory_space<vmem>> -> memref<1x16x3072xf32, #tpu.memory_space<vmem>>
      %dma_start3A_18 = tpu.memref_squeeze %dma_start3A_17 : memref<1x16x3072xf32, #tpu.memory_space<vmem>> -> memref<16x3072xf32, #tpu.memory_space<vmem>>
      %dma_start3A_19 = arith.constant 16 : i32
      %dma_start3A_20 = tpu.memref_slice %arg5[%dma_start3A_19] : memref<32xi32, #tpu.memory_space<vmem>> -> memref<16xi32, #tpu.memory_space<vmem>>
      %dma_start3A_21 = arith.constant 0 : i32
      %dma_start3A_22 = arith.constant 0 : i32
      %dma_start3A_23 = tpu.memref_slice %arg2[%dma_start3A_21, %dma_start3A_22] : memref<9088x3072xf32, #tpu.memory_space<hbm>> -> memref<9088x3072xf32, #tpu.memory_space<hbm>>
      tpu.enqueue_indirect_dma source(%dma_start3A_23 : memref<9088x3072xf32, #tpu.memory_space<hbm>>) target(%dma_start3A_18 : memref<16x3072xf32, #tpu.memory_space<vmem>>) offsets(%dma_start3A_20 : memref<16xi32, #tpu.memory_space<vmem>>) semaphore(%arg8 : memref<!tpu.dma_semaphore, #tpu.memory_space<semaphore_mem>>)
      %dma_wait3A = arith.constant 0 : i32
      %dma_wait3A_24 = arith.constant 0 : i32
      %dma_wait3A_25 = arith.constant 0 : i32
      %dma_wait3A_26 = tpu.memref_slice %arg6[%dma_wait3A, %dma_wait3A_24, %dma_wait3A_25] : memref<2x16x3072xf32, #tpu.memory_space<vmem>> -> memref<1x16x3072xf32, #tpu.memory_space<vmem>>
      %dma_wait3A_27 = tpu.memref_squeeze %dma_wait3A_26 : memref<1x16x3072xf32, #tpu.memory_space<vmem>> -> memref<16x3072xf32, #tpu.memory_space<vmem>>
      %dma_wait3A_28 = arith.constant 0 : i32
      %dma_wait3A_29 = tpu.memref_slice %arg5[%dma_wait3A_28] : memref<32xi32, #tpu.memory_space<vmem>> -> memref<16xi32, #tpu.memory_space<vmem>>
      %dma_wait3A_30 = arith.constant 0 : i32
      %dma_wait3A_31 = arith.constant 0 : i32
      %dma_wait3A_32 = tpu.memref_slice %arg2[%dma_wait3A_30, %dma_wait3A_31] : memref<9088x3072xf32, #tpu.memory_space<hbm>> -> memref<9088x3072xf32, #tpu.memory_space<hbm>>
      tpu.wait_indirect_dma semaphore(%arg7 : memref<!tpu.dma_semaphore, #tpu.memory_space<semaphore_mem>>) src(%dma_wait3A_32 : memref<9088x3072xf32, #tpu.memory_space<hbm>>) dst(%dma_wait3A_27 : memref<16x3072xf32, #tpu.memory_space<vmem>>)
      %dma_start3A_33 = arith.constant 0 : i32
      %dma_start3A_34 = arith.constant 0 : i32
      %dma_start3A_35 = arith.constant 0 : i32
      %dma_start3A_36 = tpu.memref_slice %arg6[%dma_start3A_33, %dma_start3A_34, %dma_start3A_35] : memref<2x16x3072xf32, #tpu.memory_space<vmem>> -> memref<1x16x3072xf32, #tpu.memory_space<vmem>>
      %dma_start3A_37 = tpu.memref_squeeze %dma_start3A_36 : memref<1x16x3072xf32, #tpu.memory_space<vmem>> -> memref<16x3072xf32, #tpu.memory_space<vmem>>
      %dma_start3A_38 = arith.constant 0 : i32
      %dma_start3A_39 = tpu.memref_slice %arg4[%mul3A_2, %dma_start3A_38] : memref<896x3072xf32, #tpu.memory_space<hbm>> -> memref<16x3072xf32, #tpu.memory_space<hbm>>
      %dma_start3A_40 = arith.constant 0 : i32
      %dma_start3A_41 = tpu.memref_slice %arg4[%mul3A_2, %dma_start3A_40] : memref<896x3072xf32, #tpu.memory_space<hbm>> -> memref<16x3072xf32, #tpu.memory_space<hbm>>
      %dma_start3A_42 = arith.constant 0 : i32
      %dma_start3A_43 = arith.constant 0 : i32
      %dma_start3A_44 = tpu.memref_slice %arg6[%dma_start3A_33, %dma_start3A_42, %dma_start3A_43] : memref<2x16x3072xf32, #tpu.memory_space<vmem>> -> memref<1x16x3072xf32, #tpu.memory_space<vmem>>
      %dma_start3A_45 = tpu.memref_squeeze %dma_start3A_44 : memref<1x16x3072xf32, #tpu.memory_space<vmem>> -> memref<16x3072xf32, #tpu.memory_space<vmem>>
      tpu.enqueue_dma source(%dma_start3A_45 : memref<16x3072xf32, #tpu.memory_space<vmem>>) target(%dma_start3A_41 : memref<16x3072xf32, #tpu.memory_space<hbm>>) target_semaphore(%arg9 : memref<!tpu.dma_semaphore, #tpu.memory_space<semaphore_mem>>)
      %dma_wait3A_46 = arith.constant 1 : i32
      %dma_wait3A_47 = arith.constant 0 : i32
      %dma_wait3A_48 = arith.constant 0 : i32
      %dma_wait3A_49 = tpu.memref_slice %arg6[%dma_wait3A_46, %dma_wait3A_47, %dma_wait3A_48] : memref<2x16x3072xf32, #tpu.memory_space<vmem>> -> memref<1x16x3072xf32, #tpu.memory_space<vmem>>
      %dma_wait3A_50 = tpu.memref_squeeze %dma_wait3A_49 : memref<1x16x3072xf32, #tpu.memory_space<vmem>> -> memref<16x3072xf32, #tpu.memory_space<vmem>>
      %dma_wait3A_51 = arith.constant 16 : i32
      %dma_wait3A_52 = tpu.memref_slice %arg5[%dma_wait3A_51] : memref<32xi32, #tpu.memory_space<vmem>> -> memref<16xi32, #tpu.memory_space<vmem>>
      %dma_wait3A_53 = arith.constant 0 : i32
      %dma_wait3A_54 = arith.constant 0 : i32
      %dma_wait3A_55 = tpu.memref_slice %arg2[%dma_wait3A_53, %dma_wait3A_54] : memref<9088x3072xf32, #tpu.memory_space<hbm>> -> memref<9088x3072xf32, #tpu.memory_space<hbm>>
      tpu.wait_indirect_dma semaphore(%arg8 : memref<!tpu.dma_semaphore, #tpu.memory_space<semaphore_mem>>) src(%dma_wait3A_55 : memref<9088x3072xf32, #tpu.memory_space<hbm>>) dst(%dma_wait3A_50 : memref<16x3072xf32, #tpu.memory_space<vmem>>)
      %add3A_56 = arith.constant 16 : i32
      %add3A_57 = arith.addi %mul3A_2, %add3A_56 : i32
      %dma_start3A_58 = arith.constant 1 : i32
      %dma_start3A_59 = arith.constant 0 : i32
      %dma_start3A_60 = arith.constant 0 : i32
      %dma_start3A_61 = tpu.memref_slice %arg6[%dma_start3A_58, %dma_start3A_59, %dma_start3A_60] : memref<2x16x3072xf32, #tpu.memory_space<vmem>> -> memref<1x16x3072xf32, #tpu.memory_space<vmem>>
      %dma_start3A_62 = tpu.memref_squeeze %dma_start3A_61 : memref<1x16x3072xf32, #tpu.memory_space<vmem>> -> memref<16x3072xf32, #tpu.memory_space<vmem>>
      %dma_start3A_63 = arith.constant 0 : i32
      %dma_start3A_64 = tpu.memref_slice %arg4[%add3A_57, %dma_start3A_63] : memref<896x3072xf32, #tpu.memory_space<hbm>> -> memref<16x3072xf32, #tpu.memory_space<hbm>>
      %dma_start3A_65 = arith.constant 0 : i32
      %dma_start3A_66 = tpu.memref_slice %arg4[%add3A_57, %dma_start3A_65] : memref<896x3072xf32, #tpu.memory_space<hbm>> -> memref<16x3072xf32, #tpu.memory_space<hbm>>
      %dma_start3A_67 = arith.constant 0 : i32
      %dma_start3A_68 = arith.constant 0 : i32
      %dma_start3A_69 = tpu.memref_slice %arg6[%dma_start3A_58, %dma_start3A_67, %dma_start3A_68] : memref<2x16x3072xf32, #tpu.memory_space<vmem>> -> memref<1x16x3072xf32, #tpu.memory_space<vmem>>
      %dma_start3A_70 = tpu.memref_squeeze %dma_start3A_69 : memref<1x16x3072xf32, #tpu.memory_space<vmem>> -> memref<16x3072xf32, #tpu.memory_space<vmem>>
      tpu.enqueue_dma source(%dma_start3A_70 : memref<16x3072xf32, #tpu.memory_space<vmem>>) target(%dma_start3A_66 : memref<16x3072xf32, #tpu.memory_space<hbm>>) target_semaphore(%arg10 : memref<!tpu.dma_semaphore, #tpu.memory_space<semaphore_mem>>)
      %dma_wait3A_71 = arith.constant 0 : i32
      %dma_wait3A_72 = arith.constant 0 : i32
      %dma_wait3A_73 = arith.constant 0 : i32
      %dma_wait3A_74 = tpu.memref_slice %arg6[%dma_wait3A_71, %dma_wait3A_72, %dma_wait3A_73] : memref<2x16x3072xf32, #tpu.memory_space<vmem>> -> memref<1x16x3072xf32, #tpu.memory_space<vmem>>
      %dma_wait3A_75 = tpu.memref_squeeze %dma_wait3A_74 : memref<1x16x3072xf32, #tpu.memory_space<vmem>> -> memref<16x3072xf32, #tpu.memory_space<vmem>>
      %dma_wait3A_76 = arith.constant 0 : i32
      %dma_wait3A_77 = tpu.memref_slice %arg4[%mul3A_2, %dma_wait3A_76] : memref<896x3072xf32, #tpu.memory_space<hbm>> -> memref<16x3072xf32, #tpu.memory_space<hbm>>
      %dma_wait3A_78 = arith.constant 0 : i32
      %dma_wait3A_79 = tpu.memref_slice %arg4[%mul3A_2, %dma_wait3A_78] : memref<896x3072xf32, #tpu.memory_space<hbm>> -> memref<16x3072xf32, #tpu.memory_space<hbm>>
      %dma_wait3A_80 = arith.constant 0 : i32
      %dma_wait3A_81 = arith.constant 0 : i32
      %dma_wait3A_82 = tpu.memref_slice %arg6[%dma_wait3A_71, %dma_wait3A_80, %dma_wait3A_81] : memref<2x16x3072xf32, #tpu.memory_space<vmem>> -> memref<1x16x3072xf32, #tpu.memory_space<vmem>>
      %dma_wait3A_83 = tpu.memref_squeeze %dma_wait3A_82 : memref<1x16x3072xf32, #tpu.memory_space<vmem>> -> memref<16x3072xf32, #tpu.memory_space<vmem>>
      tpu.wait_dma2 semaphore(%arg9 : memref<!tpu.dma_semaphore, #tpu.memory_space<semaphore_mem>>) src(%dma_wait3A_83 : memref<16x3072xf32, #tpu.memory_space<vmem>>) dst(%dma_wait3A_79 : memref<16x3072xf32, #tpu.memory_space<hbm>>)
      %dma_wait3A_84 = arith.constant 1 : i32
      %dma_wait3A_85 = arith.constant 0 : i32
      %dma_wait3A_86 = arith.constant 0 : i32
      %dma_wait3A_87 = tpu.memref_slice %arg6[%dma_wait3A_84, %dma_wait3A_85, %dma_wait3A_86] : memref<2x16x3072xf32, #tpu.memory_space<vmem>> -> memref<1x16x3072xf32, #tpu.memory_space<vmem>>
      %dma_wait3A_88 = tpu.memref_squeeze %dma_wait3A_87 : memref<1x16x3072xf32, #tpu.memory_space<vmem>> -> memref<16x3072xf32, #tpu.memory_space<vmem>>
      %dma_wait3A_89 = arith.constant 0 : i32
      %dma_wait3A_90 = tpu.memref_slice %arg4[%add3A_57, %dma_wait3A_89] : memref<896x3072xf32, #tpu.memory_space<hbm>> -> memref<16x3072xf32, #tpu.memory_space<hbm>>
      %dma_wait3A_91 = arith.constant 0 : i32
      %dma_wait3A_92 = tpu.memref_slice %arg4[%add3A_57, %dma_wait3A_91] : memref<896x3072xf32, #tpu.memory_space<hbm>> -> memref<16x3072xf32, #tpu.memory_space<hbm>>
      %dma_wait3A_93 = arith.constant 0 : i32
      %dma_wait3A_94 = arith.constant 0 : i32
      %dma_wait3A_95 = tpu.memref_slice %arg6[%dma_wait3A_84, %dma_wait3A_93, %dma_wait3A_94] : memref<2x16x3072xf32, #tpu.memory_space<vmem>> -> memref<1x16x3072xf32, #tpu.memory_space<vmem>>
      %dma_wait3A_96 = tpu.memref_squeeze %dma_wait3A_95 : memref<1x16x3072xf32, #tpu.memory_space<vmem>> -> memref<16x3072xf32, #tpu.memory_space<vmem>>
      tpu.wait_dma2 semaphore(%arg10 : memref<!tpu.dma_semaphore, #tpu.memory_space<semaphore_mem>>) src(%dma_wait3A_96 : memref<16x3072xf32, #tpu.memory_space<vmem>>) dst(%dma_wait3A_92 : memref<16x3072xf32, #tpu.memory_space<hbm>>)
    } else {
    }
    return
  }
}

module attributes {stable_mosaic.version = 14 : i64} {
  func.func @_tc_body(%arg0: i32, %arg1: i32, %arg2: memref<1x37x1024xi32, #tpu.memory_space<vmem>>, %arg3: memref<896x3072xf32, #tpu.memory_space<vmem>>, %arg4: memref<1x1024x3072xf32, #tpu.memory_space<vmem>>, %arg5: memref<896x3072xbf16, #tpu.memory_space<vmem>>, %arg6: memref<40x896xbf16, #tpu.memory_space<vmem>>) attributes {dimension_semantics = [#tpu.dimension_semantics<arbitrary>, #tpu.dimension_semantics<arbitrary>], iteration_bounds = array<i64: 8, 2>, scalar_prefetch = 0 : i64, scratch_operands = 2 : i64, tpu.core_type = #tpu.core_type<tc>, window_params = [{transform_indices = @transform_0, window_bounds = array<i64: 1, 37, 1024>}, {pipeline_mode = #tpu.pipeline_mode<synchronous>, transform_indices = @transform_1, window_bounds = array<i64: 896, 3072>}, {transform_indices = @transform_2, window_bounds = array<i64: 1, 1024, 3072>}]} {
    %eq3A = arith.constant 0 : i32
    %eq3A_0 = arith.cmpi eq, %arg0, %eq3A : i32
    %eq3A_1 = arith.constant 0 : i32
    %eq3A_2 = arith.cmpi eq, %arg1, %eq3A_1 : i32
    %and3A = arith.andi %eq3A_0, %eq3A_2 : i1
    %convert_element_type3A = arith.extui %and3A : i1 to i32
    %cond3A = arith.constant 0 : i32
    %cond3A_3 = arith.cmpi ne, %convert_element_type3A, %cond3A : i32
    scf.if %cond3A_3 {
      %get3A_52 = arith.constant 0 : index
      %get3A_53 = arith.constant 0 : index
      %get3A_54 = vector.load %arg3[%get3A_52, %get3A_53] : memref<896x3072xf32, #tpu.memory_space<vmem>>, vector<896x3072xf32>
      %convert_element_type3A_55 = arith.truncf %get3A_54 : vector<896x3072xf32> to vector<896x3072xbf16>
      %swap3A_56 = arith.constant 0 : index
      %swap3A_57 = arith.constant 0 : index
      %swap3A_58 = vector.load %arg5[%swap3A_56, %swap3A_57] : memref<896x3072xbf16, #tpu.memory_space<vmem>>, vector<896x3072xbf16>
      tpu.vector_store %arg5[%swap3A_56, %swap3A_57], %convert_element_type3A_55 {strides = array<i32>} : memref<896x3072xbf16, #tpu.memory_space<vmem>>, vector<896x3072xbf16>,
      %iota3A = tpu.iota {dimensions = array<i32: 1>} : vector<40x896xi32>
      %iota3A_59 = tpu.iota {dimensions = array<i32: 0>} : vector<40x896xi32>
      %jit3A = arith.constant 21 : i32
      %div3A = vector.broadcast %jit3A : i32 to vector<40x896xi32>
      %div3A_60 = arith.divsi %iota3A, %div3A : vector<40x896xi32>
      %sign3A = arith.constant 0 : i32
      %sign3A_61 = vector.broadcast %sign3A : i32 to vector<40x896xi32>
      %sign3A_62 = arith.cmpi sgt, %iota3A, %sign3A_61 : vector<40x896xi32>
      %sign3A_63 = arith.extui %sign3A_62 : vector<40x896xi1> to vector<40x896xi32>
      %sign3A_64 = arith.constant 0 : i32
      %sign3A_65 = vector.broadcast %sign3A_64 : i32 to vector<40x896xi32>
      %sign3A_66 = arith.cmpi slt, %iota3A, %sign3A_65 : vector<40x896xi32>
      %sign3A_67 = arith.extui %sign3A_66 : vector<40x896xi1> to vector<40x896xi32>
      %sign3A_68 = arith.subi %sign3A_63, %sign3A_67 : vector<40x896xi32>
      %sign3A_69 = arith.constant 0 : i32
      %sign3A_70 = arith.cmpi sgt, %jit3A, %sign3A_69 : i32
      %sign3A_71 = arith.extui %sign3A_70 : i1 to i32
      %sign3A_72 = arith.constant 0 : i32
      %sign3A_73 = arith.cmpi slt, %jit3A, %sign3A_72 : i32
      %sign3A_74 = arith.extui %sign3A_73 : i1 to i32
      %sign3A_75 = arith.subi %sign3A_71, %sign3A_74 : i32
      %ne3A = vector.broadcast %sign3A_75 : i32 to vector<40x896xi32>
      %ne3A_76 = arith.cmpi ne, %sign3A_68, %ne3A : vector<40x896xi32>
      %rem3A = vector.broadcast %jit3A : i32 to vector<40x896xi32>
      %rem3A_77 = arith.remsi %iota3A, %rem3A : vector<40x896xi32>
      %ne3A_78 = arith.constant 0 : i32
      %ne3A_79 = vector.broadcast %ne3A_78 : i32 to vector<40x896xi32>
      %ne3A_80 = arith.cmpi ne, %rem3A_77, %ne3A_79 : vector<40x896xi32>
      %and3A_81 = arith.andi %ne3A_76, %ne3A_80 : vector<40x896xi1>
      %sub3A = arith.constant 1 : i32
      %sub3A_82 = vector.broadcast %sub3A : i32 to vector<40x896xi32>
      %sub3A_83 = arith.subi %div3A_60, %sub3A_82 : vector<40x896xi32>
      %select_n3A = arith.select %and3A_81, %sub3A_83, %div3A_60 : vector<40x896xi1>, vector<40x896xi32>
      %eq3A_84 = arith.cmpi eq, %select_n3A, %iota3A_59 : vector<40x896xi32>
      %lt3A = arith.constant 37 : i32
      %lt3A_85 = vector.broadcast %lt3A : i32 to vector<40x896xi32>
      %lt3A_86 = arith.cmpi slt, %iota3A_59, %lt3A_85 : vector<40x896xi32>
      %and3A_87 = arith.andi %eq3A_84, %lt3A_86 : vector<40x896xi1>
      %convert_element_type3A_88 = arith.extui %and3A_87 : vector<40x896xi1> to vector<40x896xi32>
      %lt3A_89 = arith.constant 777 : i32
      %lt3A_90 = vector.broadcast %lt3A_89 : i32 to vector<40x896xi32>
      %lt3A_91 = arith.cmpi slt, %iota3A, %lt3A_90 : vector<40x896xi32>
      %jit3A_92 = arith.constant 21 : i32
      %eq3A_93 = arith.constant 0 : i32
      %eq3A_94 = arith.cmpi eq, %jit3A_92, %eq3A_93 : i32
      %jit3A_95 = arith.constant 1 : i32
      %select_n3A_96 = arith.select %eq3A_94, %jit3A_95, %jit3A_92 : i32
      %rem3A_97 = vector.broadcast %select_n3A_96 : i32 to vector<40x896xi32>
      %rem3A_98 = arith.remsi %iota3A, %rem3A_97 : vector<40x896xi32>
      %ne3A_99 = arith.constant 0 : i32
      %ne3A_100 = vector.broadcast %ne3A_99 : i32 to vector<40x896xi32>
      %ne3A_101 = arith.cmpi ne, %rem3A_98, %ne3A_100 : vector<40x896xi32>
      %lt3A_102 = arith.constant 0 : i32
      %lt3A_103 = vector.broadcast %lt3A_102 : i32 to vector<40x896xi32>
      %lt3A_104 = arith.cmpi slt, %rem3A_98, %lt3A_103 : vector<40x896xi32>
      %lt3A_105 = arith.constant 0 : i32
      %lt3A_106 = arith.cmpi slt, %select_n3A_96, %lt3A_105 : i32
      %ne3A_107 = vector.broadcast %lt3A_106 : i1 to vector<40x896xi1>
      %ne3A_108 = vector.broadcast %ne3A_107 : vector<40x896xi1> to vector<40x896xi1>
      %ne3A_109 = arith.xori %lt3A_104, %ne3A_108 : vector<40x896xi1>
      %and3A_110 = arith.andi %ne3A_109, %ne3A_101 : vector<40x896xi1>
      %add3A = vector.broadcast %select_n3A_96 : i32 to vector<40x896xi32>
      %add3A_111 = arith.addi %rem3A_98, %add3A : vector<40x896xi32>
      %select_n3A_112 = arith.select %and3A_110, %add3A_111, %rem3A_98 : vector<40x896xi1>, vector<40x896xi32>
      %neg3A = arith.constant 0 : i32
      %neg3A_113 = vector.broadcast %neg3A : i32 to vector<40x896xi32>
      %neg3A_114 = arith.subi %neg3A_113, %select_n3A_112 : vector<40x896xi32>
      %jit3A_115 = arith.constant -256 : i32
      %broadcast_in_dim3A_116 = vector.broadcast %jit3A_115 : i32 to vector<40x896xi32>
      %select_n3A_117 = arith.select %lt3A_91, %neg3A_114, %broadcast_in_dim3A_116 : vector<40x896xi1>, vector<40x896xi32>
      %eq3A_118 = arith.constant 37 : i32
      %eq3A_119 = vector.broadcast %eq3A_118 : i32 to vector<40x896xi32>
      %eq3A_120 = arith.cmpi eq, %iota3A_59, %eq3A_119 : vector<40x896xi32>
      %select_n3A_121 = arith.select %eq3A_120, %select_n3A_117, %convert_element_type3A_88 : vector<40x896xi1>, vector<40x896xi32>
      %convert_element_type3A_122 = arith.sitofp %select_n3A_121 : vector<40x896xi32> to vector<40x896xbf16>
      %swap3A_123 = arith.constant 0 : index
      %swap3A_124 = arith.constant 0 : index
      %swap3A_125 = vector.load %arg6[%swap3A_123, %swap3A_124] : memref<40x896xbf16, #tpu.memory_space<vmem>>, vector<40x896xbf16>
      tpu.vector_store %arg6[%swap3A_123, %swap3A_124], %convert_element_type3A_122 {strides = array<i32>} : memref<40x896xbf16, #tpu.memory_space<vmem>>, vector<40x896xbf16>,
    } else {
    }
    %get3A = arith.constant 0 : index
    %get3A_4 = arith.constant 0 : index
    %get3A_5 = arith.constant 0 : index
    %get3A_6 = vector.load %arg2[%get3A, %get3A_4, %get3A_5] : memref<1x37x1024xi32, #tpu.memory_space<vmem>>, vector<1x37x1024xi32>
    %get3A_7 = vector.shape_cast %get3A_6 : vector<1x37x1024xi32> to vector<37x1024xi32>
    %broadcast_in_dim3A = arith.constant 1 : i32
    %broadcast_in_dim3A_8 = vector.broadcast %broadcast_in_dim3A : i32 to vector<1x1024xi32>
    %broadcast_in_dim3A_9 = arith.constant 0 : i32
    %broadcast_in_dim3A_10 = vector.broadcast %broadcast_in_dim3A_9 : i32 to vector<2x1024xi32>
    %concatenate3A = tpu.concatenate %get3A_7, %broadcast_in_dim3A_8, %broadcast_in_dim3A_10 in 0 : vector<37x1024xi32>, vector<1x1024xi32>, vector<2x1024xi32> -> vector<40x1024xi32>
    %transpose3A = tpu.transpose %concatenate3A, [1, 0] : vector<40x1024xi32> -> vector<1024x40xi32>
    %convert_element_type3A_11 = arith.sitofp %transpose3A : vector<1024x40xi32> to vector<1024x40xbf16>
    %get3A_12 = arith.constant 0 : index
    %get3A_13 = arith.constant 0 : index
    %get3A_14 = vector.load %arg6[%get3A_12, %get3A_13] : memref<40x896xbf16, #tpu.memory_space<vmem>>, vector<40x896xbf16>
    %slice3A = vector.extract_strided_slice %convert_element_type3A_11 {offsets = [0, 0], sizes = [512, 40], strides = [1, 1]} : vector<1024x40xbf16> to vector<512x40xbf16>
    %dot_general3A = arith.constant dense<0.000000e+00> : vector<512x896xf32>
    %dot_general3A_15 = tpu.matmul %slice3A, %get3A_14, %dot_general3A {dimension_numbers = #tpu.dot_dimension_numbers<[1], [0], [0], [1], [0, 0, 1, 1], [], []>, transpose_lhs_hint = false} : vector<512x40xbf16>, vector<40x896xbf16>, vector<512x896xf32> -> vector<512x896xf32>
    %eq3A_16 = arith.constant 0.000000e+00 : f32
    %eq3A_17 = vector.broadcast %eq3A_16 : f32 to vector<512x896xf32>
    %eq3A_18 = arith.cmpf oeq, %dot_general3A_15, %eq3A_17 : vector<512x896xf32>
    %convert_element_type3A_19 = arith.extui %eq3A_18 : vector<512x896xi1> to vector<512x896xi32>
    %convert_element_type3A_20 = arith.sitofp %convert_element_type3A_19 : vector<512x896xi32> to vector<512x896xf32>
    %convert_element_type3A_21 = arith.truncf %convert_element_type3A_20 : vector<512x896xf32> to vector<512x896xbf16>
    %get3A_22 = arith.constant 0 : index
    %get3A_23 = arith.constant 0 : index
    %get3A_24 = vector.load %arg5[%get3A_22, %get3A_23] : memref<896x3072xbf16, #tpu.memory_space<vmem>>, vector<896x3072xbf16>
    %dot_general3A_25 = arith.constant dense<0.000000e+00> : vector<512x3072xf32>
    %dot_general3A_26 = tpu.matmul %convert_element_type3A_21, %get3A_24, %dot_general3A_25 {dimension_numbers = #tpu.dot_dimension_numbers<[1], [0], [0], [1], [0, 0, 1, 1], [], []>, transpose_lhs_hint = false} : vector<512x896xbf16>, vector<896x3072xbf16>, vector<512x3072xf32> -> vector<512x3072xf32>
    %swap3A = arith.constant 0 : index
    %swap3A_27 = arith.constant 0 : index
    %swap3A_28 = arith.constant 0 : index
    %swap3A_29 = vector.load %arg4[%swap3A, %swap3A_27, %swap3A_28] : memref<1x1024x3072xf32, #tpu.memory_space<vmem>>, vector<1x512x3072xf32>
    %swap3A_30 = vector.shape_cast %swap3A_29 : vector<1x512x3072xf32> to vector<512x3072xf32>
    %swap3A_31 = vector.shape_cast %dot_general3A_26 : vector<512x3072xf32> to vector<1x512x3072xf32>
    tpu.vector_store %arg4[%swap3A, %swap3A_27, %swap3A_28], %swap3A_31 {strides = array<i32>} : memref<1x1024x3072xf32, #tpu.memory_space<vmem>>, vector<1x512x3072xf32>,
    %slice3A_32 = vector.extract_strided_slice %convert_element_type3A_11 {offsets = [512, 0], sizes = [512, 40], strides = [1, 1]} : vector<1024x40xbf16> to vector<512x40xbf16>
    %dot_general3A_33 = arith.constant dense<0.000000e+00> : vector<512x896xf32>
    %dot_general3A_34 = tpu.matmul %slice3A_32, %get3A_14, %dot_general3A_33 {dimension_numbers = #tpu.dot_dimension_numbers<[1], [0], [0], [1], [0, 0, 1, 1], [], []>, transpose_lhs_hint = false} : vector<512x40xbf16>, vector<40x896xbf16>, vector<512x896xf32> -> vector<512x896xf32>
    %eq3A_35 = arith.constant 0.000000e+00 : f32
    %eq3A_36 = vector.broadcast %eq3A_35 : f32 to vector<512x896xf32>
    %eq3A_37 = arith.cmpf oeq, %dot_general3A_34, %eq3A_36 : vector<512x896xf32>
    %convert_element_type3A_38 = arith.extui %eq3A_37 : vector<512x896xi1> to vector<512x896xi32>
    %convert_element_type3A_39 = arith.sitofp %convert_element_type3A_38 : vector<512x896xi32> to vector<512x896xf32>
    %convert_element_type3A_40 = arith.truncf %convert_element_type3A_39 : vector<512x896xf32> to vector<512x896xbf16>
    %get3A_41 = arith.constant 0 : index
    %get3A_42 = arith.constant 0 : index
    %get3A_43 = vector.load %arg5[%get3A_41, %get3A_42] : memref<896x3072xbf16, #tpu.memory_space<vmem>>, vector<896x3072xbf16>
    %dot_general3A_44 = arith.constant dense<0.000000e+00> : vector<512x3072xf32>
    %dot_general3A_45 = tpu.matmul %convert_element_type3A_40, %get3A_43, %dot_general3A_44 {dimension_numbers = #tpu.dot_dimension_numbers<[1], [0], [0], [1], [0, 0, 1, 1], [], []>, transpose_lhs_hint = false} : vector<512x896xbf16>, vector<896x3072xbf16>, vector<512x3072xf32> -> vector<512x3072xf32>
    %swap3A_46 = arith.constant 0 : index
    %swap3A_47 = arith.constant 512 : index
    %swap3A_48 = arith.constant 0 : index
    %swap3A_49 = vector.load %arg4[%swap3A_46, %swap3A_47, %swap3A_48] : memref<1x1024x3072xf32, #tpu.memory_space<vmem>>, vector<1x512x3072xf32>
    %swap3A_50 = vector.shape_cast %swap3A_49 : vector<1x512x3072xf32> to vector<512x3072xf32>
    %swap3A_51 = vector.shape_cast %dot_general3A_45 : vector<512x3072xf32> to vector<1x512x3072xf32>
    tpu.vector_store %arg4[%swap3A_46, %swap3A_47, %swap3A_48], %swap3A_51 {strides = array<i32>} : memref<1x1024x3072xf32, #tpu.memory_space<vmem>>, vector<1x512x3072xf32>,
    return
  }
  func.func @transform_0(%arg0: i32, %arg1: i32) -> (i32, i32, i32) {
    %c0_i32 = arith.constant 0 : i32
    %c0_i32_0 = arith.constant 0 : i32
    return %arg0, %c0_i32, %arg1 : i32, i32, i32
  }
  func.func @transform_1(%arg0: i32, %arg1: i32) -> (i32, i32) {
    %c0_i32 = arith.constant 0 : i32
    %c0_i32_0 = arith.constant 0 : i32
    %c0_i32_1 = arith.constant 0 : i32
    return %c0_i32, %c0_i32_0 : i32, i32
  }
  func.func @transform_2(%arg0: i32, %arg1: i32) -> (i32, i32, i32) {
    %c0_i32 = arith.constant 0 : i32
    %c0_i32_0 = arith.constant 0 : i32
    return %arg0, %arg1, %c0_i32 : i32, i32, i32
  }
}

</mosaic_0001>

<sc_bundles>
// kernel: kernel.4.cloned.1.call-start
scs
__scs_entry_jumppad:
0x0: {  	(pc) =	sbr.rel $0x88, $3  }
0x1: {  	(tag) =	ssettag $0x0;
	lr =	simm.s32 $0x1  }
0x2: {  	[smem:$0x3F9E] =	sst lr;
	_ =	strace $0xD0000000  }
0x3: {  	_ = 	snop  }
0x4: {  	_ = 	snop  }
0x5: {  	_ = 	snop  }
0x6: {  	_ = 	snop  }
0x7: {  	_ = 	snop  }
__scs_overlays_trampoline_lowered:
0x8: {  	[smem:$0x3FAD] =	sst s0  }
0x9: {  	[smem:$0x3FAE] =	sst s1  }
0xa: {  	[smem:$0x3FAF] =	sst s2  }
0xb: {  	[smem:$0x3FB0] =	sst s3  }
0xc: {  	[smem:$0x3FB1] =	sst s4  }
0xd: {  	[smem:$0x3FB2] =	sst s5  }
0xe: {  	[smem:$0x3FB3] =	sst s6  }
0xf: {  	[smem:$0x3FB4] =	sst s7  }
0x10: {  	[smem:$0x3FB5] =	sst s8  }
0x11: {  	[smem:$0x3FB6] =	sst s9;
	s0 =	simm.s32 @!p0 $0x0  }
0x12: {  	s1 =	sld [smem:$0x3F9C];
	s0 =	simm.s32 @p0 $0x1  }
0x13: {  	[smem:$0x3FB7] =	sst s0;
	s0 =	simm.s32 @!p1 $0x0  }
0x14: {  	s2 =	sld [smem:$0x3F9B];
	s0 =	simm.s32 @p1 $0x1  }
0x15: {  	[smem:$0x3FB8] =	sst s0;
	s0 =	simm.s32 @!p2 $0x0  }
0x16: {  	s3 =	sld [smem:$0x3FDB];
	s0 =	simm.s32 @p2 $0x1  }
0x17: {  	s4 =	simm.s32 $0x1BF5;
	[smem:$0x3FBA] =	sst s0  }
0x18: {  	s0 =	sld [smem:$0x3F9D];
	_ =	swait.ge [sflag:s4], $0x0  }
0x19: {  	s7 =	sld [smem:$0x3F9E]  }
0x1a: {  	s8 =	sadd.s32 $0xFFFFE003, lr  }
0x1b: {  	s9 =	sadd.s32 $0xFFFFFEF7, lr;
	s5 =	simm.s32 $0xFFFFFFFF;
	p2 =	slt.u32 s8, $0xFFFFF086  }
0x1c: {  	p1 =	slt.u32 s9, $0xF7A;
	s5 =	simm.s32 @!p2 $0x0  }
0x1d: {  	s5 =	simm.s32 @p1 $0x1;
	p0 =	seq.s32 s7, s2  }
0x1e: {  	s7 =	smul.u32 @!p0 $0xF7A, s2;
	p2 =	seq.s32 @!p0 s5, $0x0  }
0x1f: {  	s9 =	smul.u32 $0xF7A, s1;
	s8 =	simm.s32 @!p0 $0x1BF5;
	p2 =	por !p2, p0  }
0x20: {  	[sflag:s8] =	ssyncset.s32 @!p0 $0xFFFFF086;
	s6 =	sadd.s32 @!p0 s3, s7;
	s7 =	simm.s32 @!p0 $0x108  }
0x21: {  	s3 =	sadd.s32 s3, s9;
	s6 =	sadd.s32 @!p0 $0x88, s6;
	s7 =	simm.s32 @p2 $0x1082  }
0x22: {  	[simem:s7], [sflag:s8] =	dma.local @!p0 [hbm:s6], $0xF7A  }
0x23: {  	s9 =	sor.u32 $0xD0000000, s2;
	s6 =	simm.s32 $0x108;
	_ =	swait.ge @!p0 [sflag:s8], $0x0  }
0x24: {  	s3 =	sadd.s32 $0x88, s3;
	s6 =	simm.s32 @!p1 $0x1082;
	[sflag:s4] =	ssyncset.s32 $0xFFFFF086  }
0x25: {  	[simem:s6], [sflag:s4] =	dma.local [hbm:s3], $0xF7A  }
0x26: {  	[smem:$0x3F9E] =	sst s1;
	(tag) =	ssettag s2;
	_ =	strace s9  }
0x27: {  	s1 =	sld [smem:$0x3FAE]  }
0x28: {  	s2 =	sld [smem:$0x3FAF]  }
0x29: {  	s4 =	sld [smem:$0x3FB1]  }
0x2a: {  	p0 =	seq.s32 s5, $0x0;
	s5 =	sld [smem:$0x3FB2]  }
0x2b: {  	s6 =	sld [smem:$0x3FB3]  }
0x2c: {  	s7 =	sld [smem:$0x3FB4]  }
0x2d: {  	s3 =	simm.s32 $0x108;
	s8 =	sld [smem:$0x3FB5]  }
0x2e: {  	s3 =	simm.s32 @!p0 $0x1082;
	s9 =	sld [smem:$0x3FB6]  }
0x2f: {  	lr =	sadd.s32 s0, s3;
	s0 =	sld [smem:$0x3FAD]  }
0x30: {  	s3 =	sld [smem:$0x3FB0]  }
0x31: {  	[smem:$0x3FB9] =	sst s10  }
0x32: {  	s10 =	sld [smem:$0x3FB7];
	_ =	sdelay $0x3  }
0x33: {  	p0 =	seq.s32 s10, $0x1;
	s10 =	sld [smem:$0x3FB9];
	_ =	sdelay $0x3  }
0x34: {  	[smem:$0x3FB9] =	sst s10  }
0x35: {  	s10 =	sld [smem:$0x3FB8];
	_ =	sdelay $0x3  }
0x36: {  	p1 =	seq.s32 s10, $0x1;
	s10 =	sld [smem:$0x3FB9];
	_ =	sdelay $0x3  }
0x37: {  	[smem:$0x3FB9] =	sst s10  }
0x38: {  	s10 =	sld [smem:$0x3FBA]  }
0x39: {  	_ = 	snop;
	(pc) =	sbr.ind lr, $3  }
0x3a: {  	_ = 	snop  }
0x3b: {  	_ = 	snop  }
0x3c: {  	p2 =	seq.s32 s10, $0x1;
	s10 =	sld [smem:$0x3FB9]  }
0x3d: {  	_ =	shalt  }
0x3e: {  	_ =	shalt  }
0x3f: {  	_ =	shalt  }
0x40: {  	_ =	shalt  }
0x41: {  	_ =	shalt  }
0x42: {  	_ =	shalt  }
0x43: {  	_ =	shalt  }
0x44: {  	_ =	shalt  }
0x45: {  	_ =	shalt  }
0x46: {  	_ =	shalt  }
0x47: {  	_ =	shalt  }
0x48: {  	_ =	shalt  }
0x49: {  	_ =	shalt  }
0x4a: {  	_ =	shalt  }
0x4b: {  	_ =	shalt  }
0x4c: {  	_ =	shalt  }
0x4d: {  	_ =	shalt  }
0x4e: {  	_ =	shalt  }
0x4f: {  	_ =	shalt  }
0x50: {  	_ =	shalt  }
0x51: {  	_ =	shalt  }
0x52: {  	_ =	shalt  }
0x53: {  	_ =	shalt  }
0x54: {  	_ =	shalt  }
0x55: {  	_ =	shalt  }
0x56: {  	_ =	shalt  }
0x57: {  	_ =	shalt  }
0x58: {  	_ =	shalt  }
0x59: {  	_ =	shalt  }
0x5a: {  	_ =	shalt  }
0x5b: {  	_ =	shalt  }
0x5c: {  	_ =	shalt  }
0x5d: {  	_ =	shalt  }
0x5e: {  	_ =	shalt  }
0x5f: {  	_ =	shalt  }
0x60: {  	_ =	shalt  }
0x61: {  	_ =	shalt  }
0x62: {  	_ =	shalt  }
0x63: {  	_ =	shalt  }
0x64: {  	_ =	shalt  }
0x65: {  	_ =	shalt  }
0x66: {  	_ =	shalt  }
0x67: {  	_ =	shalt  }
0x68: {  	_ =	shalt  }
0x69: {  	_ =	shalt  }
0x6a: {  	_ =	shalt  }
0x6b: {  	_ =	shalt  }
0x6c: {  	_ =	shalt  }
0x6d: {  	_ =	shalt  }
0x6e: {  	_ =	shalt  }
0x6f: {  	_ =	shalt  }
0x70: {  	_ =	shalt  }
0x71: {  	_ =	shalt  }
0x72: {  	_ =	shalt  }
0x73: {  	_ =	shalt  }
0x74: {  	_ =	shalt  }
0x75: {  	_ =	shalt  }
0x76: {  	_ =	shalt  }
0x77: {  	_ =	shalt  }
0x78: {  	_ =	shalt  }
0x79: {  	_ =	shalt  }
0x7a: {  	_ =	shalt  }
0x7b: {  	_ =	shalt  }
0x7c: {  	_ =	shalt  }
0x7d: {  	_ =	shalt  }
0x7e: {  	_ =	shalt  }
0x7f: {  	_ =	shalt  }
0x80: {  	_ =	shalt  }
0x81: {  	_ =	shalt  }
0x82: {  	_ =	shalt  }
0x83: {  	_ =	shalt  }
0x84: {  	_ =	shalt  }
0x85: {  	_ =	shalt  }
0x86: {  	_ =	shalt  }
0x87: {  	_ =	shalt  }
.Lfunc_end0:
.L_simem_size_0:
called_computation_lowered:
.L_overlay_start_0:
0x88: {  	s2 =	sld [smem:$0x3FD9]  }
0x89: {  	s3 =	sld [smem:$0x3FFE];
	_ =	sdelay $0x1  }
0x8a: {  	s1 =	srdreg.scid  }
0x8b: {  	s0 =	sand.u32 $0x1, s1  }
0x8c: {  	s17 =	sshll.u32 s0, $0xA;
	s2 =	sadd.s32 s3, s2  }
0x8d: {  	s2 =	sadd.s32 s2, s17  }
0x8e: {  	[smem:$0x3FC5] =	sst s2  }
0x8f: {  	_ = 	snop  }
0x90: {  	s2 =	sld [smem:$0x3FC8]  }
0x91: {  	s18 =	sld [smem:$0x3FD0];
	(tm) =	ssettm $0x1  }
0x92: {  	s4 =	sld [smem:$0x3FFB];
	_ =	sdelay $0x3  }
0x93: {  	_ =	strace s4  }
0x94: {  	s4 =	sld [smem:$0x3FFC];
	_ =	sdelay $0x3  }
0x95: {  	_ =	strace s4  }
0x96: {  	s4 =	sld [smem:$0x3FFD];
	_ =	sdelay $0x3  }
0x97: {  	_ =	strace s4  }
0x98: {  	_ =	strace $0x8FFFFFFF  }
0x99: {  	s19 =	sld [smem:$0x3FDB];
	_ =	sdelay $0x1  }
0x9a: {  	s5 =	simm.s32 $_scs_section_size  }
0x9b: {  	s6 =	simm.s32 $_size__tile_overlayer_lowered;
	s7 =	simm.s32 $_tile_overlayer_lowered  }
0x9c: {  	s22 =	simm.s32 $0x1BFF;
	s21 =	sshll.u32 s7, $0x1;
	s4 =	sadd.s32 s5, s19  }
0x9d: {  	s8 =	simm.s32 $0x0;
	s20 =	sshll.u32 s6, $0x1;
	s6 =	sadd.s32 s21, s4  }
0x9e: {  	[timem:s8], [sflag:s22] =	dma.local [hbm:s6], s20  }
0x9f: {  	_ =	swait.ge [sflag:s22], s20  }
0xa0: {  	s5 =	ssub.s32 $0x0, s20;
	[sflag:s22] =	ssyncset.done $0x0  }
0xa1: {  	[sflag:s22] =	ssyncadd.s32 s5;
	_ =	sdelay $0x1  }
0xa2: {  	s23 =	simm.s32 $0x1B8B  }
0xa3: {  	_ =	swait.ge [sflag:s23], $0x1  }
0xa4: {  	[sflag:s23] =	ssyncset.done $0x0  }
0xa5: {  	s25 =	simm.s32 $0x1B8E;
	s24 =	sld [smem:$0x3FFE];
	[sflag:s23] =	ssyncadd.s32 $0xFFFFFFFF  }
0xa6: {  	s26 =	simm.s32 $execute0_lowered;
	[smem:$0x3FD2] =	sst s25  }
0xa7: {  	s6 =	sshll.u32 s26, $0x1;
	_ =	strace $0x80000046;
	[dreg:$0x1] =	wrdreg $0xFFFFFFFF  }
0xa8: {  	s28 =	simm.s32 $_size_execute0_lowered;
	s4 =	sadd.s32 s4, s6;
	[dreg:$0x0] =	wrdreg $0x0  }
0xa9: {  	s6 =	sshll.u32 s28, $0x1;
	[dreg:$0x2] =	wrdreg s4  }
0xaa: {  	[dreg:$0x3] =	wrdreg s6  }
0xab: {  	[dreg:$0x4] =	wrdreg $0xC0  }
0xac: {  	_ =	task [dreg:s8], $0x5FFFF  }
0xad: {  	[dreg:$0x1] =	wrdreg $0xFFFFFFFF  }
0xae: {  	[dreg:$0x0] =	wrdreg $0x60  }
0xaf: {  	[dreg:$0x2] =	wrdreg s2  }
0xb0: {  	[dreg:$0x3] =	wrdreg s24  }
0xb1: {  	[dreg:$0x4] =	wrdreg s18  }
0xb2: {  	[dreg:$0x5] =	wrdreg $0x9  }
0xb3: {  	_ =	task.clear_ibuf [dreg:s8], $0x6FFFF;
	_ =	strace $0x90000046  }
0xb4: {  	s29 =	simm.s32 $0x9;
	_ =	strace $0x80000048  }
0xb5: {  	_ =	swait.ge [sflag:s29], $0x1  }
0xb6: {  	[sflag:s29] =	ssyncadd.s32 $0xFFFFFFFF  }
0xb7: {  	_ =	strace $0x90000048  }
0xb8: {  	_ =	sfence  }
0xb9: {  	s30 =	sld [smem:$0x0];
	_ =	sdelay $0x2  }
0xba: {  	s31 =	sshll.u32 s1, $0xD;
	s1 =	sshrl.u32 s1, $0x2  }
0xbb: {  	s3 =	sand.u32 $0x4000, s31;
	s1 =	sadd.s32 s1, s30  }
0xbc: {  	s0 =	sor.u32 s3, s0;
	s1 =	sshll.u32 s1, $0x11  }
0xbd: {  	s0 =	sor.u32 s1, s0  }
0xbe: {  	s0 =	sadd.s32 $0x8F2B, s0  }
0xbf: {  	[sflag:s0] =	ssyncadd.remote.s32 $0x1  }
0xc0: {  	_ =	sfence.sel $0xFFFF  }
0xc1: {  	[dreg:$0x0] =	wrdreg $0xFFFFFFFF;
	(pc) =	sbr.abs _section_cstart, $3  }
0xc2: {  	[dreg:$0x1] =	wrdreg $0xFFFFFFFF  }
0xc3: {  	_ =	task.clear_ibuf [dreg:s8], $0x2FFFF;
	_ =	strace $0x9FFFFFFF  }
0xc4: {  	(tm) =	ssettm $0x7FFFFFFF  }
0xc5: {  	_ =	shalt  }
tec
execute0_lowered:
.L_overlay_start_1:
0x0: {  	(tag) =	ssettag $0x1  }
0x1: {  	s0 =	stileid.u32  }
0x2: {  	p0 =	sgt.u32 s0, $0xD  }
.Ltmp0:
0x3: {  	_ = 	snop;
	(pc) =	sbr.rel @p0 .LBB2_3-.Ltmp0, $4  }
0x4: {  	s1 =	rddreg [dreg:$0x0]  }
0x5: {  	s4 =	rddreg [dreg:$0x1];
	s3 =	simm.s32 $0x0  }
0x6: {  	[smem:$0x7FF] =	sst s3  }
0x7: {  	s5 =	rddreg [dreg:$0x2];
	_ =	strace $0x80000047  }
0x8: {  	s20 =	simm.s32 $0x880  }
0x9: {  	s21 =	simm.s32 $0x1080;
	[dreg:$0x7] =	wrdreg s20  }
0xa: {  	s22 =	simm.s32 $0x1880;
	[dreg:$0x8] =	wrdreg s21  }
0xb: {  	s23 =	simm.s32 $0x2080;
	[dreg:$0x9] =	wrdreg s22  }
0xc: {  	s24 =	simm.s32 $0x2880;
	[dreg:$0xa] =	wrdreg s23  }
0xd: {  	s25 =	simm.s32 $0x3080;
	[dreg:$0xb] =	wrdreg s24  }
0xe: {  	s26 =	simm.s32 $0x3880;
	[dreg:$0xc] =	wrdreg s25  }
0xf: {  	s9 =	simm.s32 $0x6880;
	[dreg:$0xd] =	wrdreg s26  }
0x10: {  	s10 =	simm.s32 $0x7080;
	[dreg:$0x13] =	wrdreg s9  }
0x11: {  	s11 =	simm.s32 $0x7880;
	[dreg:$0x14] =	wrdreg s10  }
0x12: {  	s12 =	simm.s32 $0x8080;
	[dreg:$0x15] =	wrdreg s11  }
0x13: {  	s13 =	simm.s32 $0x8880;
	[dreg:$0x16] =	wrdreg s12  }
0x14: {  	s14 =	simm.s32 $0x9080;
	[dreg:$0x17] =	wrdreg s13  }
0x15: {  	s15 =	simm.s32 $0x9880;
	[dreg:$0x18] =	wrdreg s14  }
0x16: {  	s0 =	srdreg.scid;
	s16 =	simm.s32 $0xA080;
	[dreg:$0x19] =	wrdreg s15  }
0x17: {  	s2 =	stileid.u32;
	s17 =	simm.s32 $0xA880;
	[dreg:$0x1a] =	wrdreg s16  }
0x18: {  	s18 =	simm.s32 $0xB080;
	s28 =	simm.s32 $0x17880;
	[dreg:$0x1b] =	wrdreg s17  }
0x19: {  	s6 =	sshll.u32 s2, $0x3;
	s2 =	simm.s32 $0x4080;
	[dreg:$0x1c] =	wrdreg s18  }
0x1a: {  	s29 =	simm.s32 $0x1;
	s9 =	simm.s32 $0xC880;
	[dreg:$0xe] =	wrdreg s2  }
0x1b: {  	s30 =	simm.s32 $0x2;
	s10 =	simm.s32 $0xD080;
	[dreg:$0x1e] =	wrdreg s9  }
0x1c: {  	s31 =	simm.s32 $0x3;
	s11 =	simm.s32 $0xD880;
	[dreg:$0x1f] =	wrdreg s10  }
0x1d: {  	s0 =	sand.u32 $0x1, s0;
	s12 =	simm.s32 $0xE080;
	[smem:$0x7F2] =	sst s11  }
0x1e: {  	s13 =	simm.s32 $0xE880;
	s14 =	simm.s32 $0xF080;
	[smem:$0x7F3] =	sst s12  }
0x1f: {  	s15 =	simm.s32 $0xF880;
	s20 =	simm.s32 $0x10080;
	[smem:$0x7F4] =	sst s13  }
0x20: {  	s21 =	simm.s32 $0x10880;
	s22 =	simm.s32 $0x11080;
	[smem:$0x7F5] =	sst s14  }
0x21: {  	s23 =	simm.s32 $0x11880;
	s24 =	simm.s32 $0x12080;
	[smem:$0x7F6] =	sst s15  }
0x22: {  	s25 =	simm.s32 $0x12880;
	s17 =	simm.s32 $0x80;
	[smem:$0x7F7] =	sst s20  }
0x23: {  	s26 =	simm.s32 $0x13080;
	s18 =	simm.s32 $0xC080;
	[smem:$0x7F8] =	sst s21  }
0x24: {  	s7 =	sshll.u32 s0, $0x2;
	s9 =	sadd.s32 $0x600, s1;
	[smem:$0x7F9] =	sst s22  }
0x25: {  	s10 =	sadd.s32 $0x700, s1;
	s11 =	sadd.s32 $0x800, s1;
	[smem:$0x7FA] =	sst s23  }
0x26: {  	s12 =	sadd.s32 $0x900, s1;
	s13 =	sadd.s32 $0xA00, s1;
	[smem:$0x7FB] =	sst s24  }
0x27: {  	s14 =	sadd.s32 $0xB00, s1;
	s0 =	ssub.s32 $0x2, s0;
	[smem:$0x7FC] =	sst s25  }
0x28: {  	[smem:$0x7FD] =	sst s26;
	s20 =	simm.s32 $0x14080;
	s21 =	simm.s32 $0x14880  }
0x29: {  	s22 =	simm.s32 $0x15080;
	s23 =	simm.s32 $0x15880;
	s24 =	simm.s32 $0x16080  }
0x2a: {  	s25 =	simm.s32 $0x16880;
	s26 =	simm.s32 $0x17080;
	s6 =	sor.u32 s7, s6  }
0x2b: {  	s16 =	sshrl.u32 s0, $0x1;
	s7 =	smul.u32 $0x6000, s6;
	s4 =	sadd.s32 s4, s6  }
0x2c: {  	s8 =	smul.u32 $0xC00, s6;
	s6 =	simm.s32 $0x5080;
	[dreg:$0x6] =	wrdreg s4  }
0x2d: {  	s0 =	ssub.s32 s0, s16;
	s16 =	simm.s32 $0x5;
	[dreg:$0x10] =	wrdreg s6  }
0x2e: {  	s4 =	sadd.s32 $0x100, s1;
	s7 =	sshrl.u32 s7, $0x3;
	s8 =	sadd.s32 s5, s8  }
0x2f: {  	s19 =	sadd.s32 s5, s7;
	[dreg:$0x4] =	wrdreg s8;
	s7 =	simm.s32 $0x5880  }
0x30: {  	s6 =	sadd.s32 $0x300, s1;
	s8 =	simm.s32 $0x6080;
	[dreg:$0x11] =	wrdreg s7  }
0x31: {  	s15 =	smax.u32 s0, $0x1;
	s5 =	sadd.s32 $0x1800, s19;
	[dreg:$0x12] =	wrdreg s8  }
0x32: {  	v2 =	vlaneseq.u32;
	s0 =	simm.s32 $0x4;
	s19 =	simm.s32 $0xB880;
	[dreg:$0x5] =	wrdreg s5  }
0x33: {  	vm0 =	vmmov $0xffff;
	v1 =	vshrl.u32 v2, $0x3;
	s7 =	sadd.s32 $0x400, s1;
	s5 =	simm.s32 $0x4880;
	[dreg:$0x1d] =	wrdreg s19  }
0x34: {  	v0 =	vand.u32 $0x7, v2;
	v2 =	vor.u32 $0x8, v2;
	v1 =	vmul.u32 $0x8, v1;
	s8 =	sadd.s32 $0x500, s1;
	[dreg:$0xf] =	wrdreg s5;
	s5 =	sadd.s32 $0x200, s1  }
.LBB2_2:
0x35: {  	s2 =	rddreg [dreg:$0x6]  }
0x36: {  	[tilespmem:s3], [sflag:$0x5] =	stream.linear.gather [hbm4b:s2+s3], $0x20, $0x38;
	[tilespmem:$0x18080] =	vst v63  }
0x37: {  	_ =	swait.ge [sflag:s16], $0x20  }
0x38: {  	[sflag:s16] =	ssyncset.done $0x0  }
0x39: {  	[sflag:s16] =	ssyncadd.s32 $0xFFFFFFE0  }
0x3a: {  	v3 =	vld [tilespmem:$0x0];
	_ =	sdelay $0x4  }
0x3b: {  	v4 =	vshrl.u32 v3, $0x3  }
0x3c: {  	v4 =	vmul.u32 $0xC0, v4  }
0x3d: {  	v3 =	vand.u32 $0x7, v3  }
0x3e: {  	v3 =	vor.u32 v3, v4  }
0x3f: {  	v4 =	vperm.xlane v3, v0;
	_ =	sdelay $0x1  }
0x40: {  	v4 =	vadd.s32 v1, v4;
	_ =	sdelay $0x4  }
0x41: {  	[tilespmem:s17], [sflag:$0x1] =	stream.indirect_vreg.gather [hbm4b:s1+s3], $0x80, v4, vm0, $0xb8;
	[tilespmem:$0x18080] =	vst v63  }
0x42: {  	s2 =	rddreg [dreg:$0x7]  }
0x43: {  	[tilespmem:s2], [sflag:$0x1] =	stream.indirect_vreg.gather [hbm4b:s4+s3], $0x80, v4, vm0, $0xb8;
	[tilespmem:$0x18080] =	vst v63  }
0x44: {  	s19 =	rddreg [dreg:$0x8]  }
0x45: {  	[tilespmem:s19], [sflag:$0x1] =	stream.indirect_vreg.gather [hbm4b:s5+s3], $0x80, v4, vm0, $0xb8;
	[tilespmem:$0x18080] =	vst v63  }
0x46: {  	s2 =	rddreg [dreg:$0x9]  }
0x47: {  	[tilespmem:s2], [sflag:$0x1] =	stream.indirect_vreg.gather [hbm4b:s6+s3], $0x80, v4, vm0, $0xb8;
	[tilespmem:$0x18080] =	vst v63  }
0x48: {  	s19 =	rddreg [dreg:$0xa]  }
0x49: {  	[tilespmem:s19], [sflag:$0x1] =	stream.indirect_vreg.gather [hbm4b:s7+s3], $0x80, v4, vm0, $0xb8;
	[tilespmem:$0x18080] =	vst v63  }
0x4a: {  	s2 =	rddreg [dreg:$0xb]  }
0x4b: {  	[tilespmem:s2], [sflag:$0x1] =	stream.indirect_vreg.gather [hbm4b:s8+s3], $0x80, v4, vm0, $0xb8;
	[tilespmem:$0x18080] =	vst v63  }
0x4c: {  	s19 =	rddreg [dreg:$0xc]  }
0x4d: {  	[tilespmem:s19], [sflag:$0x1] =	stream.indirect_vreg.gather [hbm4b:s9+s3], $0x80, v4, vm0, $0xb8;
	[tilespmem:$0x18080] =	vst v63  }
0x4e: {  	s2 =	rddreg [dreg:$0xd]  }
0x4f: {  	[tilespmem:s2], [sflag:$0x1] =	stream.indirect_vreg.gather [hbm4b:s10+s3], $0x80, v4, vm0, $0xb8;
	[tilespmem:$0x18080] =	vst v63  }
0x50: {  	s19 =	rddreg [dreg:$0xe]  }
0x51: {  	[tilespmem:s19], [sflag:$0x1] =	stream.indirect_vreg.gather [hbm4b:s11+s3], $0x80, v4, vm0, $0xb8;
	[tilespmem:$0x18080] =	vst v63  }
0x52: {  	v3 =	vperm.xlane v3, v2;
	s2 =	rddreg [dreg:$0xf]  }
0x53: {  	[tilespmem:s2], [sflag:$0x1] =	stream.indirect_vreg.gather [hbm4b:s12+s3], $0x80, v4, vm0, $0xb8;
	[tilespmem:$0x18080] =	vst v63  }
0x54: {  	v3 =	vadd.s32 v1, v3;
	s19 =	rddreg [dreg:$0x10]  }
0x55: {  	[tilespmem:s19], [sflag:$0x1] =	stream.indirect_vreg.gather [hbm4b:s13+s3], $0x80, v4, vm0, $0xb8;
	[tilespmem:$0x18080] =	vst v63  }
0x56: {  	s2 =	rddreg [dreg:$0x11]  }
0x57: {  	[tilespmem:s2], [sflag:$0x1] =	stream.indirect_vreg.gather [hbm4b:s14+s3], $0x80, v4, vm0, $0xb8;
	[tilespmem:$0x18080] =	vst v63  }
0x58: {  	s19 =	rddreg [dreg:$0x12]  }
0x59: {  	[tilespmem:s19], [sflag:$0x1] =	stream.indirect_vreg.gather [hbm4b:s1+s3], $0x80, v3, vm0, $0xb8;
	[tilespmem:$0x18080] =	vst v63  }
0x5a: {  	s2 =	rddreg [dreg:$0x13]  }
0x5b: {  	[tilespmem:s2], [sflag:$0x1] =	stream.indirect_vreg.gather [hbm4b:s4+s3], $0x80, v3, vm0, $0xb8;
	[tilespmem:$0x18080] =	vst v63  }
0x5c: {  	s19 =	rddreg [dreg:$0x14]  }
0x5d: {  	[tilespmem:s19], [sflag:$0x1] =	stream.indirect_vreg.gather [hbm4b:s5+s3], $0x80, v3, vm0, $0xb8;
	[tilespmem:$0x18080] =	vst v63  }
0x5e: {  	s2 =	rddreg [dreg:$0x15]  }
0x5f: {  	[tilespmem:s2], [sflag:$0x1] =	stream.indirect_vreg.gather [hbm4b:s6+s3], $0x80, v3, vm0, $0xb8;
	[tilespmem:$0x18080] =	vst v63  }
0x60: {  	s19 =	rddreg [dreg:$0x16]  }
0x61: {  	[tilespmem:s19], [sflag:$0x1] =	stream.indirect_vreg.gather [hbm4b:s7+s3], $0x80, v3, vm0, $0xb8;
	[tilespmem:$0x18080] =	vst v63  }
0x62: {  	s2 =	rddreg [dreg:$0x17]  }
0x63: {  	[tilespmem:s2], [sflag:$0x1] =	stream.indirect_vreg.gather [hbm4b:s8+s3], $0x80, v3, vm0, $0xb8;
	[tilespmem:$0x18080] =	vst v63  }
0x64: {  	s19 =	rddreg [dreg:$0x18]  }
0x65: {  	[tilespmem:s19], [sflag:$0x1] =	stream.indirect_vreg.gather [hbm4b:s9+s3], $0x80, v3, vm0, $0xb8;
	[tilespmem:$0x18080] =	vst v63  }
0x66: {  	s2 =	rddreg [dreg:$0x19]  }
0x67: {  	[tilespmem:s2], [sflag:$0x1] =	stream.indirect_vreg.gather [hbm4b:s10+s3], $0x80, v3, vm0, $0xb8;
	[tilespmem:$0x18080] =	vst v63  }
0x68: {  	s19 =	rddreg [dreg:$0x1a]  }
0x69: {  	[tilespmem:s19], [sflag:$0x1] =	stream.indirect_vreg.gather [hbm4b:s11+s3], $0x80, v3, vm0, $0xb8;
	[tilespmem:$0x18080] =	vst v63  }
0x6a: {  	s2 =	rddreg [dreg:$0x1b]  }
0x6b: {  	[tilespmem:s2], [sflag:$0x1] =	stream.indirect_vreg.gather [hbm4b:s12+s3], $0x80, v3, vm0, $0xb8;
	[tilespmem:$0x18080] =	vst v63  }
0x6c: {  	s19 =	rddreg [dreg:$0x1c]  }
0x6d: {  	[tilespmem:s19], [sflag:$0x1] =	stream.indirect_vreg.gather [hbm4b:s13+s3], $0x80, v3, vm0, $0xb8;
	[tilespmem:$0x18080] =	vst v63  }
0x6e: {  	s2 =	rddreg [dreg:$0x1d]  }
0x6f: {  	[tilespmem:s2], [sflag:$0x1] =	stream.indirect_vreg.gather [hbm4b:s14+s3], $0x80, v3, vm0, $0xb8;
	[tilespmem:$0x18080] =	vst v63  }
0x70: {  	v3 =	vld [tilespmem:$0x10];
	_ =	sdelay $0x4  }
0x71: {  	v63 =	vshrl.u32 v3, $0x3  }
0x72: {  	v4 =	vmul.u32 $0xC0, v63  }
0x73: {  	v3 =	vand.u32 $0x7, v3  }
0x74: {  	v3 =	vor.u32 v3, v4  }
0x75: {  	v4 =	vperm.xlane v3, v0;
	_ =	sdelay $0x1  }
0x76: {  	v4 =	vadd.s32 v1, v4;
	_ =	sdelay $0x3  }
0x77: {  	s19 =	rddreg [dreg:$0x1f]  }
0x78: {  	[tilespmem:s18], [sflag:$0x2] =	stream.indirect_vreg.gather [hbm4b:s1+s3], $0x80, v4, vm0, $0xb8;
	[tilespmem:$0x18080] =	vst v63  }
0x79: {  	s2 =	rddreg [dreg:$0x1e]  }
0x7a: {  	[tilespmem:s2], [sflag:$0x2] =	stream.indirect_vreg.gather [hbm4b:s4+s3], $0x80, v4, vm0, $0xb8;
	[tilespmem:$0x18080] =	vst v63  }
0x7b: {  	s2 =	sld [smem:$0x7F2]  }
0x7c: {  	[tilespmem:s19], [sflag:$0x2] =	stream.indirect_vreg.gather [hbm4b:s5+s3], $0x80, v4, vm0, $0xb8;
	[tilespmem:$0x18080] =	vst v63  }
0x7d: {  	s19 =	sld [smem:$0x7F3]  }
0x7e: {  	[tilespmem:s2], [sflag:$0x2] =	stream.indirect_vreg.gather [hbm4b:s6+s3], $0x80, v4, vm0, $0xb8;
	[tilespmem:$0x18080] =	vst v63  }
0x7f: {  	s2 =	sld [smem:$0x7F4]  }
0x80: {  	[tilespmem:s19], [sflag:$0x2] =	stream.indirect_vreg.gather [hbm4b:s7+s3], $0x80, v4, vm0, $0xb8;
	[tilespmem:$0x18080] =	vst v63  }
0x81: {  	s19 =	sld [smem:$0x7F5]  }
0x82: {  	[tilespmem:s2], [sflag:$0x2] =	stream.indirect_vreg.gather [hbm4b:s8+s3], $0x80, v4, vm0, $0xb8;
	[tilespmem:$0x18080] =	vst v63  }
0x83: {  	s2 =	sld [smem:$0x7F6]  }
0x84: {  	[tilespmem:s19], [sflag:$0x2] =	stream.indirect_vreg.gather [hbm4b:s9+s3], $0x80, v4, vm0, $0xb8;
	[tilespmem:$0x18080] =	vst v63  }
0x85: {  	s19 =	sld [smem:$0x7F7]  }
0x86: {  	[tilespmem:s2], [sflag:$0x2] =	stream.indirect_vreg.gather [hbm4b:s10+s3], $0x80, v4, vm0, $0xb8;
	[tilespmem:$0x18080] =	vst v63  }
0x87: {  	s2 =	sld [smem:$0x7F8]  }
0x88: {  	[tilespmem:s19], [sflag:$0x2] =	stream.indirect_vreg.gather [hbm4b:s11+s3], $0x80, v4, vm0, $0xb8;
	[tilespmem:$0x18080] =	vst v63  }
0x89: {  	v3 =	vperm.xlane v3, v2;
	s19 =	sld [smem:$0x7F9]  }
0x8a: {  	[tilespmem:s2], [sflag:$0x2] =	stream.indirect_vreg.gather [hbm4b:s12+s3], $0x80, v4, vm0, $0xb8;
	[tilespmem:$0x18080] =	vst v63  }
0x8b: {  	v3 =	vadd.s32 v1, v3;
	s2 =	sld [smem:$0x7FA]  }
0x8c: {  	[tilespmem:s19], [sflag:$0x2] =	stream.indirect_vreg.gather [hbm4b:s13+s3], $0x80, v4, vm0, $0xb8;
	[tilespmem:$0x18080] =	vst v63  }
0x8d: {  	s19 =	sld [smem:$0x7FB]  }
0x8e: {  	[tilespmem:s2], [sflag:$0x2] =	stream.indirect_vreg.gather [hbm4b:s14+s3], $0x80, v4, vm0, $0xb8;
	[tilespmem:$0x18080] =	vst v63  }
0x8f: {  	s2 =	sld [smem:$0x7FC]  }
0x90: {  	[tilespmem:s19], [sflag:$0x2] =	stream.indirect_vreg.gather [hbm4b:s1+s3], $0x80, v3, vm0, $0xb8;
	[tilespmem:$0x18080] =	vst v63  }
0x91: {  	s19 =	sld [smem:$0x7FD]  }
0x92: {  	[tilespmem:s2], [sflag:$0x2] =	stream.indirect_vreg.gather [hbm4b:s4+s3], $0x80, v3, vm0, $0xb8;
	[tilespmem:$0x18080] =	vst v63  }
0x93: {  	_ = 	snop  }
0x94: {  	[tilespmem:s19], [sflag:$0x2] =	stream.indirect_vreg.gather [hbm4b:s5+s3], $0x80, v3, vm0, $0xb8;
	[tilespmem:$0x18080] =	vst v63  }
0x95: {  	s19 =	simm.s32 $0x13880  }
0x96: {  	[tilespmem:s19], [sflag:$0x2] =	stream.indirect_vreg.gather [hbm4b:s6+s3], $0x80, v3, vm0, $0xb8;
	[tilespmem:$0x18080] =	vst v63  }
0x97: {  	_ = 	snop  }
0x98: {  	[tilespmem:s20], [sflag:$0x2] =	stream.indirect_vreg.gather [hbm4b:s7+s3], $0x80, v3, vm0, $0xb8;
	[tilespmem:$0x18080] =	vst v63  }
0x99: {  	_ = 	snop  }
0x9a: {  	[tilespmem:s21], [sflag:$0x2] =	stream.indirect_vreg.gather [hbm4b:s8+s3], $0x80, v3, vm0, $0xb8;
	[tilespmem:$0x18080] =	vst v63  }
0x9b: {  	_ = 	snop  }
0x9c: {  	[tilespmem:s22], [sflag:$0x2] =	stream.indirect_vreg.gather [hbm4b:s9+s3], $0x80, v3, vm0, $0xb8;
	[tilespmem:$0x18080] =	vst v63  }
0x9d: {  	_ = 	snop  }
0x9e: {  	[tilespmem:s23], [sflag:$0x2] =	stream.indirect_vreg.gather [hbm4b:s10+s3], $0x80, v3, vm0, $0xb8;
	[tilespmem:$0x18080] =	vst v63  }
0x9f: {  	_ = 	snop  }
0xa0: {  	[tilespmem:s24], [sflag:$0x2] =	stream.indirect_vreg.gather [hbm4b:s11+s3], $0x80, v3, vm0, $0xb8;
	[tilespmem:$0x18080] =	vst v63  }
0xa1: {  	_ = 	snop  }
0xa2: {  	[tilespmem:s25], [sflag:$0x2] =	stream.indirect_vreg.gather [hbm4b:s12+s3], $0x80, v3, vm0, $0xb8;
	[tilespmem:$0x18080] =	vst v63  }
0xa3: {  	_ = 	snop  }
0xa4: {  	[tilespmem:s26], [sflag:$0x2] =	stream.indirect_vreg.gather [hbm4b:s13+s3], $0x80, v3, vm0, $0xb8;
	[tilespmem:$0x18080] =	vst v63  }
0xa5: {  	_ = 	snop  }
0xa6: {  	[tilespmem:s28], [sflag:$0x2] =	stream.indirect_vreg.gather [hbm4b:s14+s3], $0x80, v3, vm0, $0xb8;
	[tilespmem:$0x18080] =	vst v63  }
0xa7: {  	_ =	swait.ge [sflag:s29], $0xC000  }
0xa8: {  	[sflag:s29] =	ssyncset.done $0x0  }
0xa9: {  	s19 =	rddreg [dreg:$0x4];
	[sflag:s29] =	ssyncadd.s32 $0xFFFF4000  }
0xaa: {  	[hbm4b:s19+s3] =	stream.linear.scatter [tilespmem:s17], [sflag:$0x3], $0xC000, $0x38;
	[tilespmem:$0x18080] =	vst v63  }
0xab: {  	_ =	swait.ge [sflag:s30], $0xC000  }
0xac: {  	[sflag:s30] =	ssyncset.done $0x0  }
0xad: {  	s19 =	rddreg [dreg:$0x5];
	[sflag:s30] =	ssyncadd.s32 $0xFFFF4000  }
0xae: {  	[hbm4b:s19+s3] =	stream.linear.scatter [tilespmem:s18], [sflag:$0x4], $0xC000, $0x38;
	[tilespmem:$0x18080] =	vst v63  }
0xaf: {  	p0 =	sne.s32 s15, $0x1;
	_ =	swait.ge [sflag:s31], $0xC000  }
.Ltmp1:
0xb0: {  	[sflag:s31] =	ssyncset.done $0x0;
	(pc) =	sbr.rel @p0 .LBB2_2-.Ltmp1, $4  }
0xb1: {  	[sflag:s31] =	ssyncadd.s32 $0xFFFF4000  }
0xb2: {  	_ =	swait.ge [sflag:s0], $0xC000  }
0xb3: {  	[sflag:s0] =	ssyncset.done $0x0  }
0xb4: {  	s15 =	sadd.s32 $0xFFFFFFFF, s15;
	[sflag:s0] =	ssyncadd.s32 $0xFFFF4000  }
.LBB2_3:
0xb5: {  	_ =	sfence.sel $0x180000  }
0xb6: {  	[bflag:$0x0] =	sbarrier.arrive $0xFFFF  }
0xb7: {  	_ =	strace $0x90000047  }
0xb8: {  	s0 =	stileid.u32;
	[bflag:$0x2] =	sbarrier.arrive $0xFFFF  }
0xb9: {  	p0 =	sne.s32 s0, $0x0;
	s0 =	rddreg [dreg:$0x3]  }
0xba: {  	s0 =	sadd.s32 @!p0 $0x100000, s0  }
0xbb: {  	[sflag:s0] =	ssyncadd.tile.s32 @!p0 $0x1;
	_ =	shalt  }
.Lfunc_end2:
_tile_overlayer_lowered:
.L_overlay_start_2:
0xbc: {  	(tag) =	ssettag $0x2  }
0xbd: {  	s0 =	rddreg [dreg:$0x0];
	s2 =	stileid.u32  }
0xbe: {  	s1 =	rddreg [dreg:$0x1];
	p0 =	sne.s32 s2, $0x0  }
0xbf: {  	s3 =	rddreg [dreg:$0x2];
	[bflag:$0x3] =	sbarrier.arrive $0xFFFF;
	s2 =	simm.s32 @!p0 $0x1C05  }
0xc0: {  	[timem:s3], [sflag:s2] =	dma.local @!p0 [hbm:s0], s1  }
0xc1: {  	s0 =	simm.s32 @!p0 $0x5  }
0xc2: {  	_ =	swait.ge @!p0 [sflag:s0], s1  }
0xc3: {  	s1 =	ssub.s32 @!p0 $0x0, s1;
	[sflag:s0] =	ssyncset.done @!p0 $0x0  }
0xc4: {  	[sflag:s0] =	ssyncadd.s32 @!p0 s1  }
0xc5: {  	[bflag:$0x3] =	sbarrier.arrive $0xFFFF  }
0xc6: {  	_ =	shalt  }

</sc_bundles>
